<compile_context>
chip_gen: v7x
topology: tpu7x:2x2x1
jax: 0.10.2.dev20260603
libtpu: 0.0.44.dev20260713+nightly
codegen_flags: <defaults>
</compile_context>

<pallas_src>
import functools

import jax
import jax.numpy as jnp
from jax import lax
from jax.experimental import pallas as pl
from jax.experimental.pallas import tpu as pltpu
from jax.experimental.pallas import tpu_sc as plsc

B = 4096
EMB = 64
H = 2 * EMB

_NC = 2
_NS = 16
_NW = _NC * _NS
_BPW = B // _NW
_NL = 16


def _sc_gather(track_table, artist_table, W1, track_id, artist_id, genres):
  mesh = plsc.VectorSubcoreMesh(core_axis_name="c", subcore_axis_name="s")

  @functools.partial(
      pl.kernel,
      mesh=mesh,
      out_type=(
          jax.ShapeDtypeStruct((B, H), jnp.float32),
          jax.ShapeDtypeStruct((B, H), jnp.float32),
          jax.ShapeDtypeStruct((B, H), jnp.float32),
      ),
      scratch_types=[
          pltpu.VMEM((_BPW,), jnp.int32),
          pltpu.VMEM((_BPW,), jnp.int32),
          pltpu.VMEM((_BPW,), jnp.int32),
          pltpu.VMEM((_BPW, H), jnp.float32),
          pltpu.VMEM((_BPW, H), jnp.float32),
          pltpu.VMEM((_BPW, H), jnp.float32),
          pltpu.SemaphoreType.DMA,
          pltpu.SemaphoreType.DMA,
          pltpu.SemaphoreType.DMA,
      ],
      compiler_params=pltpu.CompilerParams(use_tc_tiling_on_sc=False),
  )
  def k(tt, at, w1, tid, aid, gid, t_out, a_out, g_out,
        tix, aix, gix, trows, arows, grows, sem_t, sem_a, sem_g):
    wid = lax.axis_index("s") * _NC + lax.axis_index("c")
    base = wid * _BPW
    pltpu.sync_copy(tid.at[pl.ds(base, _BPW)], tix)
    pltpu.sync_copy(aid.at[pl.ds(base, _BPW)], aix)
    pltpu.sync_copy(gid.at[pl.ds(base, _BPW)], gix)
    for j in range(_BPW // _NL):
      sl = pl.ds(j * _NL, _NL)
      gix[sl] = gix[sl] + 2 * EMB
    ct = pltpu.async_copy(tt.at[tix], trows, sem_t)
    ca = pltpu.async_copy(at.at[aix], arows, sem_a)
    cg = pltpu.async_copy(w1.at[gix], grows, sem_g)
    ct.wait()
    pltpu.sync_copy(trows, t_out.at[pl.ds(base, _BPW)])
    ca.wait()
    pltpu.sync_copy(arows, a_out.at[pl.ds(base, _BPW)])
    cg.wait()
    pltpu.sync_copy(grows, g_out.at[pl.ds(base, _BPW)])

  return k(track_table, artist_table, W1, track_id, artist_id, genres)


V = 100001
_CB = 8192
_NB = (V + _CB - 1) // _CB


def _detile_body(t_ref, a_ref, to_ref, ao_ref):
  t = t_ref[...].T
  a = a_ref[...].T
  to_ref[...] = jnp.concatenate([t, t], axis=1).reshape(H * _CB)
  ao_ref[...] = jnp.concatenate([a, a], axis=1).reshape(H * _CB)


def _tc_detile(tT, aT):
  return pl.pallas_call(
      _detile_body,
      grid=(_NB,),
      in_specs=[
          pl.BlockSpec((EMB, _CB), lambda i: (0, i)),
          pl.BlockSpec((EMB, _CB), lambda i: (0, i)),
      ],
      out_specs=[
          pl.BlockSpec((H * _CB,), lambda i: (i,)),
          pl.BlockSpec((H * _CB,), lambda i: (i,)),
      ],
      out_shape=[
          jax.ShapeDtypeStruct((V * H,), jnp.float32),
          jax.ShapeDtypeStruct((V * H,), jnp.float32),
      ],
  )(tT, aT)


_BLK = 512


def _tc_body(t_ref, a_ref, g_ref, au_ref, mean_ref, var_ref,
             w1_ref, b1_ref, w2_ref, b2_ref, o_ref):
  audio = (au_ref[...] - mean_ref[...]) * lax.rsqrt(var_ref[...])
  h = g_ref[...] + b1_ref[...]
  h += jnp.dot(t_ref[:, :EMB], w1_ref[:EMB, :],
               preferred_element_type=jnp.float32)
  h += jnp.dot(a_ref[:, :EMB], w1_ref[EMB:2 * EMB, :],
               preferred_element_type=jnp.float32)
  h += jnp.dot(audio, w1_ref[2 * EMB + 101:, :],
               preferred_element_type=jnp.float32)
  h = jnp.maximum(h, 0.0)
  o_ref[...] = jnp.dot(h, w2_ref[...], preferred_element_type=jnp.float32) + b2_ref[...]


def _tc_dense(t2, a2, grows, audio, norm_mean, norm_var, W1, b1, W2, b2):
  n_blk = B // _BLK
  full = lambda shape: pl.BlockSpec(shape, lambda i: (0, 0))
  return pl.pallas_call(
      _tc_body,
      grid=(n_blk,),
      in_specs=[
          pl.BlockSpec((_BLK, H), lambda i: (i, 0)),
          pl.BlockSpec((_BLK, H), lambda i: (i, 0)),
          pl.BlockSpec((_BLK, H), lambda i: (i, 0)),
          pl.BlockSpec((_BLK, 8), lambda i: (i, 0)),
          full((1, 8)),
          full((1, 8)),
          full((237, H)),
          full((1, H)),
          full((H, EMB)),
          full((1, EMB)),
      ],
      out_specs=pl.BlockSpec((_BLK, EMB), lambda i: (i, 0)),
      out_shape=jax.ShapeDtypeStruct((B, EMB), jnp.float32),
  )(t2, a2, grows, audio, norm_mean, norm_var, W1, b1, W2, b2)


def kernel(track_id, artist_id, genres, danceability, energy, instrumentalness,
           acousticness, valence, speechiness, loudness, liveness,
           norm_mean, norm_var, track_table, artist_table, W1, b1, W2, b2):
  tid = track_id.astype(jnp.int32)
  aid = artist_id.astype(jnp.int32)
  gid = genres.astype(jnp.int32)
  t_flat, a_flat = _tc_detile(track_table.T, artist_table.T)
  t2, a2, grows = _sc_gather(t_flat.reshape(V, H), a_flat.reshape(V, H),
                             W1, tid, aid, gid)
  audio = jnp.stack([danceability, energy, instrumentalness, acousticness,
                     valence, speechiness, loudness, liveness], axis=1)
  return _tc_dense(t2, a2, grows, audio,
                   norm_mean.reshape(1, 8), norm_var.reshape(1, 8),
                   W1, b1.reshape(1, H), W2, b2.reshape(1, EMB))

# --- scband reference (transcript-rebuilt; emitter-appended) ---
"""Pipeline reference for scband-track-tower-61143154425949 (READ-ONLY COPY).

The authoritative reference and input builder live on the scoring server;
editing this copy changes nothing except your own understanding.
"""

import jax, jax.numpy as jnp
import numpy as np

B = 4096
TRACK_VOCAB = 100001  # 100000 tracks + 1 OOV index (StringLookup mask_token=None)
ARTIST_VOCAB = 100001
GENRE_VOCAB = 101     # 100 genres + 1 OOV
EMB = 64
AUDIO_FEATS = ['danceability', 'energy', 'instrumentalness', 'acousticness', 'valence', 'speechiness', 'loudness', 'liveness']


def setup_inputs(seed: int = 0) -> dict:
    key = jax.random.key(seed)
    ks = jax.random.split(key, 24)
    inp = {}
    inp['track_id'] = jax.random.randint(ks[0], (B,), 0, TRACK_VOCAB)
    inp['artist_id'] = jax.random.randint(ks[1], (B,), 0, ARTIST_VOCAB)
    inp['genres'] = jax.random.randint(ks[2], (B,), 0, GENRE_VOCAB)
    for i, f in enumerate(AUDIO_FEATS):
        inp[f] = jax.random.uniform(ks[3 + i], (B,), dtype=jnp.float32)
    # Keras Normalization(axis=None) state (mean/var); identity before adapt()
    inp['norm_mean'] = jnp.zeros((8,), jnp.float32)
    inp['norm_var'] = jnp.ones((8,), jnp.float32)
    # Embedding tables
    inp['track_table'] = jax.random.normal(ks[12], (TRACK_VOCAB, EMB), jnp.float32) * 0.05
    inp['artist_table'] = jax.random.normal(ks[13], (ARTIST_VOCAB, EMB), jnp.float32) * 0.05
    # FNN: Dense(emb_dim*2, relu) -> Dense(emb_dim)
    cd = EMB + EMB + GENRE_VOCAB + 8
    inp['W1'] = jax.random.normal(ks[14], (cd, EMB * 2), jnp.float32) * (1.0 / np.sqrt(cd))
    inp['b1'] = jnp.zeros((EMB * 2,), jnp.float32)
    inp['W2'] = jax.random.normal(ks[15], (EMB * 2, EMB), jnp.float32) * (1.0 / np.sqrt(EMB * 2))
    inp['b2'] = jnp.zeros((EMB,), jnp.float32)
    return inp


def reference(track_id, artist_id, genres,
              danceability, energy, instrumentalness, acousticness,
              valence, speechiness, loudness, liveness,
              norm_mean, norm_var,
              track_table, artist_table, W1, b1, W2, b2):
    # StringLookup + Embedding -> integer gather from table
    track_emb = jnp.take(track_table, track_id, axis=0)
    artist_emb = jnp.take(artist_table, artist_id, axis=0)
    # genre tokenizer + one_hot over full vocab (incl. OOV slot)
    genre_embedding = jax.nn.one_hot(genres, GENRE_VOCAB, dtype=jnp.float32)
    # Normalization(axis=None): (x - mean) / sqrt(var), then stack along axis=1
    feats = [danceability, energy, instrumentalness, acousticness,
             valence, speechiness, loudness, liveness]
    audio = jnp.stack([(feats[i] - norm_mean[i]) / jnp.sqrt(norm_var[i]) for i in range(8)], axis=1)
    concatenated = jnp.concatenate([track_emb, artist_emb, genre_embedding, audio], axis=1)
    h = jax.nn.relu(concatenated @ W1 + b1)
    return h @ W2 + b2

if __name__ == "__main__":
    import jax
    _d = setup_inputs()
    print(jax.jit(kernel)(*tuple(_d.values())))

</pallas_src>

<mosaic_0001>
#map = affine_map<(d0, d1) -> (0, 0)>
#map1 = affine_map<(d0, d1) -> (0)>
module attributes {stable_mosaic.version = 14 : i64} {
  func.func @k(%arg0: i32, %arg1: i32, %arg2: memref<100001x128xf32, #tpu.memory_space<hbm>>, %arg3: memref<100001x128xf32, #tpu.memory_space<hbm>>, %arg4: memref<237x128xf32, #tpu.memory_space<hbm>>, %arg5: memref<4096xi32, #tpu.memory_space<hbm>>, %arg6: memref<4096xi32, #tpu.memory_space<hbm>>, %arg7: memref<4096xi32, #tpu.memory_space<hbm>>, %arg8: memref<4096x128xf32, #tpu.memory_space<hbm>>, %arg9: memref<4096x128xf32, #tpu.memory_space<hbm>>, %arg10: memref<4096x128xf32, #tpu.memory_space<hbm>>, %arg11: memref<128xi32, #tpu.memory_space<vmem>>, %arg12: memref<128xi32, #tpu.memory_space<vmem>>, %arg13: memref<128xi32, #tpu.memory_space<vmem>>, %arg14: memref<128x128xf32, #tpu.memory_space<vmem>>, %arg15: memref<128x128xf32, #tpu.memory_space<vmem>>, %arg16: memref<128x128xf32, #tpu.memory_space<vmem>>, %arg17: memref<!tpu.dma_semaphore, #tpu.memory_space<semaphore_mem>>, %arg18: memref<!tpu.dma_semaphore, #tpu.memory_space<semaphore_mem>>, %arg19: memref<!tpu.dma_semaphore, #tpu.memory_space<semaphore_mem>>) attributes {dimension_semantics = [#tpu.dimension_semantics<core_parallel>, #tpu.dimension_semantics<subcore_parallel>], iteration_bounds = array<i64: 2, 16>, scalar_prefetch = 0 : i64, scratch_operands = 9 : i64, tpu.core_type = #tpu.core_type<sc_vector_subcore>, window_params = [{transform_indices = #map}, {transform_indices = #map}, {transform_indices = #map}, {transform_indices = #map1}, {transform_indices = #map1}, {transform_indices = #map1}, {transform_indices = #map}, {transform_indices = #map}, {transform_indices = #map}]} {
    %mul3A = arith.constant 2 : i32
    %mul3A_0 = arith.muli %arg1, %mul3A : i32
    %add3A = arith.addi %mul3A_0, %arg0 : i32
    %mul3A_1 = arith.constant 128 : i32
    %mul3A_2 = arith.muli %add3A, %mul3A_1 : i32
    "tpu.region"() ({
      %run_scoped3A = tpu.sem_alloc : memref<!tpu.dma_semaphore, #tpu.memory_space<semaphore_mem>>
      %dma_start3A_97 = tpu.memref_slice %arg5[%mul3A_2] : memref<4096xi32, #tpu.memory_space<hbm>> -> memref<128xi32, #tpu.memory_space<hbm>>
      %dma_start3A_98 = tpu.memref_slice %arg5[%mul3A_2] : memref<4096xi32, #tpu.memory_space<hbm>> -> memref<128xi32, #tpu.memory_space<hbm>>
      tpu.enqueue_dma source(%dma_start3A_98 : memref<128xi32, #tpu.memory_space<hbm>>) target(%arg11 : memref<128xi32, #tpu.memory_space<vmem>>) target_semaphore(%run_scoped3A : memref<!tpu.dma_semaphore, #tpu.memory_space<semaphore_mem>>)
      %dma_wait3A_99 = tpu.memref_slice %arg5[%mul3A_2] : memref<4096xi32, #tpu.memory_space<hbm>> -> memref<128xi32, #tpu.memory_space<hbm>>
      %dma_wait3A_100 = tpu.memref_slice %arg5[%mul3A_2] : memref<4096xi32, #tpu.memory_space<hbm>> -> memref<128xi32, #tpu.memory_space<hbm>>
      tpu.wait_dma2 semaphore(%run_scoped3A : memref<!tpu.dma_semaphore, #tpu.memory_space<semaphore_mem>>) src(%dma_wait3A_100 : memref<128xi32, #tpu.memory_space<hbm>>) dst(%arg11 : memref<128xi32, #tpu.memory_space<vmem>>)
      tpu.yield
    }) : () -> ()
    "tpu.region"() ({
      %run_scoped3A = tpu.sem_alloc : memref<!tpu.dma_semaphore, #tpu.memory_space<semaphore_mem>>
      %dma_start3A_97 = tpu.memref_slice %arg6[%mul3A_2] : memref<4096xi32, #tpu.memory_space<hbm>> -> memref<128xi32, #tpu.memory_space<hbm>>
      %dma_start3A_98 = tpu.memref_slice %arg6[%mul3A_2] : memref<4096xi32, #tpu.memory_space<hbm>> -> memref<128xi32, #tpu.memory_space<hbm>>
      tpu.enqueue_dma source(%dma_start3A_98 : memref<128xi32, #tpu.memory_space<hbm>>) target(%arg12 : memref<128xi32, #tpu.memory_space<vmem>>) target_semaphore(%run_scoped3A : memref<!tpu.dma_semaphore, #tpu.memory_space<semaphore_mem>>)
      %dma_wait3A_99 = tpu.memref_slice %arg6[%mul3A_2] : memref<4096xi32, #tpu.memory_space<hbm>> -> memref<128xi32, #tpu.memory_space<hbm>>
      %dma_wait3A_100 = tpu.memref_slice %arg6[%mul3A_2] : memref<4096xi32, #tpu.memory_space<hbm>> -> memref<128xi32, #tpu.memory_space<hbm>>
      tpu.wait_dma2 semaphore(%run_scoped3A : memref<!tpu.dma_semaphore, #tpu.memory_space<semaphore_mem>>) src(%dma_wait3A_100 : memref<128xi32, #tpu.memory_space<hbm>>) dst(%arg12 : memref<128xi32, #tpu.memory_space<vmem>>)
      tpu.yield
    }) : () -> ()
    "tpu.region"() ({
      %run_scoped3A = tpu.sem_alloc : memref<!tpu.dma_semaphore, #tpu.memory_space<semaphore_mem>>
      %dma_start3A_97 = tpu.memref_slice %arg7[%mul3A_2] : memref<4096xi32, #tpu.memory_space<hbm>> -> memref<128xi32, #tpu.memory_space<hbm>>
      %dma_start3A_98 = tpu.memref_slice %arg7[%mul3A_2] : memref<4096xi32, #tpu.memory_space<hbm>> -> memref<128xi32, #tpu.memory_space<hbm>>
      tpu.enqueue_dma source(%dma_start3A_98 : memref<128xi32, #tpu.memory_space<hbm>>) target(%arg13 : memref<128xi32, #tpu.memory_space<vmem>>) target_semaphore(%run_scoped3A : memref<!tpu.dma_semaphore, #tpu.memory_space<semaphore_mem>>)
      %dma_wait3A_99 = tpu.memref_slice %arg7[%mul3A_2] : memref<4096xi32, #tpu.memory_space<hbm>> -> memref<128xi32, #tpu.memory_space<hbm>>
      %dma_wait3A_100 = tpu.memref_slice %arg7[%mul3A_2] : memref<4096xi32, #tpu.memory_space<hbm>> -> memref<128xi32, #tpu.memory_space<hbm>>
      tpu.wait_dma2 semaphore(%run_scoped3A : memref<!tpu.dma_semaphore, #tpu.memory_space<semaphore_mem>>) src(%dma_wait3A_100 : memref<128xi32, #tpu.memory_space<hbm>>) dst(%arg13 : memref<128xi32, #tpu.memory_space<vmem>>)
      tpu.yield
    }) : () -> ()
    %get3A = arith.constant 0 : index
    %get3A_3 = tpu.vector_load %arg13[%get3A] {strides = array<i32>} : memref<128xi32, #tpu.memory_space<vmem>>, vector<16xi32>,
    %get3A_4 = vector.shape_cast %get3A_3 : vector<16xi32> to vector<16xi32>
    %add3A_5 = arith.constant 128 : i32
    %add3A_6 = vector.broadcast %add3A_5 : i32 to vector<16xi32>
    %add3A_7 = arith.addi %get3A_4, %add3A_6 : vector<16xi32>
    %swap3A = arith.constant 0 : index
    %swap3A_8 = tpu.vector_load %arg13[%swap3A] {strides = array<i32>} : memref<128xi32, #tpu.memory_space<vmem>>, vector<16xi32>,
    %swap3A_9 = vector.shape_cast %swap3A_8 : vector<16xi32> to vector<16xi32>
    %swap3A_10 = vector.shape_cast %add3A_7 : vector<16xi32> to vector<16xi32>
    tpu.vector_store %arg13[%swap3A], %swap3A_10 {strides = array<i32>} : memref<128xi32, #tpu.memory_space<vmem>>, vector<16xi32>,
    %get3A_11 = arith.constant 16 : index
    %get3A_12 = tpu.vector_load %arg13[%get3A_11] {strides = array<i32>} : memref<128xi32, #tpu.memory_space<vmem>>, vector<16xi32>,
    %get3A_13 = vector.shape_cast %get3A_12 : vector<16xi32> to vector<16xi32>
    %add3A_14 = arith.constant 128 : i32
    %add3A_15 = vector.broadcast %add3A_14 : i32 to vector<16xi32>
    %add3A_16 = arith.addi %get3A_13, %add3A_15 : vector<16xi32>
    %swap3A_17 = arith.constant 16 : index
    %swap3A_18 = tpu.vector_load %arg13[%swap3A_17] {strides = array<i32>} : memref<128xi32, #tpu.memory_space<vmem>>, vector<16xi32>,
    %swap3A_19 = vector.shape_cast %swap3A_18 : vector<16xi32> to vector<16xi32>
    %swap3A_20 = vector.shape_cast %add3A_16 : vector<16xi32> to vector<16xi32>
    tpu.vector_store %arg13[%swap3A_17], %swap3A_20 {strides = array<i32>} : memref<128xi32, #tpu.memory_space<vmem>>, vector<16xi32>,
    %get3A_21 = arith.constant 32 : index
    %get3A_22 = tpu.vector_load %arg13[%get3A_21] {strides = array<i32>} : memref<128xi32, #tpu.memory_space<vmem>>, vector<16xi32>,
    %get3A_23 = vector.shape_cast %get3A_22 : vector<16xi32> to vector<16xi32>
    %add3A_24 = arith.constant 128 : i32
    %add3A_25 = vector.broadcast %add3A_24 : i32 to vector<16xi32>
    %add3A_26 = arith.addi %get3A_23, %add3A_25 : vector<16xi32>
    %swap3A_27 = arith.constant 32 : index
    %swap3A_28 = tpu.vector_load %arg13[%swap3A_27] {strides = array<i32>} : memref<128xi32, #tpu.memory_space<vmem>>, vector<16xi32>,
    %swap3A_29 = vector.shape_cast %swap3A_28 : vector<16xi32> to vector<16xi32>
    %swap3A_30 = vector.shape_cast %add3A_26 : vector<16xi32> to vector<16xi32>
    tpu.vector_store %arg13[%swap3A_27], %swap3A_30 {strides = array<i32>} : memref<128xi32, #tpu.memory_space<vmem>>, vector<16xi32>,
    %get3A_31 = arith.constant 48 : index
    %get3A_32 = tpu.vector_load %arg13[%get3A_31] {strides = array<i32>} : memref<128xi32, #tpu.memory_space<vmem>>, vector<16xi32>,
    %get3A_33 = vector.shape_cast %get3A_32 : vector<16xi32> to vector<16xi32>
    %add3A_34 = arith.constant 128 : i32
    %add3A_35 = vector.broadcast %add3A_34 : i32 to vector<16xi32>
    %add3A_36 = arith.addi %get3A_33, %add3A_35 : vector<16xi32>
    %swap3A_37 = arith.constant 48 : index
    %swap3A_38 = tpu.vector_load %arg13[%swap3A_37] {strides = array<i32>} : memref<128xi32, #tpu.memory_space<vmem>>, vector<16xi32>,
    %swap3A_39 = vector.shape_cast %swap3A_38 : vector<16xi32> to vector<16xi32>
    %swap3A_40 = vector.shape_cast %add3A_36 : vector<16xi32> to vector<16xi32>
    tpu.vector_store %arg13[%swap3A_37], %swap3A_40 {strides = array<i32>} : memref<128xi32, #tpu.memory_space<vmem>>, vector<16xi32>,
    %get3A_41 = arith.constant 64 : index
    %get3A_42 = tpu.vector_load %arg13[%get3A_41] {strides = array<i32>} : memref<128xi32, #tpu.memory_space<vmem>>, vector<16xi32>,
    %get3A_43 = vector.shape_cast %get3A_42 : vector<16xi32> to vector<16xi32>
    %add3A_44 = arith.constant 128 : i32
    %add3A_45 = vector.broadcast %add3A_44 : i32 to vector<16xi32>
    %add3A_46 = arith.addi %get3A_43, %add3A_45 : vector<16xi32>
    %swap3A_47 = arith.constant 64 : index
    %swap3A_48 = tpu.vector_load %arg13[%swap3A_47] {strides = array<i32>} : memref<128xi32, #tpu.memory_space<vmem>>, vector<16xi32>,
    %swap3A_49 = vector.shape_cast %swap3A_48 : vector<16xi32> to vector<16xi32>
    %swap3A_50 = vector.shape_cast %add3A_46 : vector<16xi32> to vector<16xi32>
    tpu.vector_store %arg13[%swap3A_47], %swap3A_50 {strides = array<i32>} : memref<128xi32, #tpu.memory_space<vmem>>, vector<16xi32>,
    %get3A_51 = arith.constant 80 : index
    %get3A_52 = tpu.vector_load %arg13[%get3A_51] {strides = array<i32>} : memref<128xi32, #tpu.memory_space<vmem>>, vector<16xi32>,
    %get3A_53 = vector.shape_cast %get3A_52 : vector<16xi32> to vector<16xi32>
    %add3A_54 = arith.constant 128 : i32
    %add3A_55 = vector.broadcast %add3A_54 : i32 to vector<16xi32>
    %add3A_56 = arith.addi %get3A_53, %add3A_55 : vector<16xi32>
    %swap3A_57 = arith.constant 80 : index
    %swap3A_58 = tpu.vector_load %arg13[%swap3A_57] {strides = array<i32>} : memref<128xi32, #tpu.memory_space<vmem>>, vector<16xi32>,
    %swap3A_59 = vector.shape_cast %swap3A_58 : vector<16xi32> to vector<16xi32>
    %swap3A_60 = vector.shape_cast %add3A_56 : vector<16xi32> to vector<16xi32>
    tpu.vector_store %arg13[%swap3A_57], %swap3A_60 {strides = array<i32>} : memref<128xi32, #tpu.memory_space<vmem>>, vector<16xi32>,
    %get3A_61 = arith.constant 96 : index
    %get3A_62 = tpu.vector_load %arg13[%get3A_61] {strides = array<i32>} : memref<128xi32, #tpu.memory_space<vmem>>, vector<16xi32>,
    %get3A_63 = vector.shape_cast %get3A_62 : vector<16xi32> to vector<16xi32>
    %add3A_64 = arith.constant 128 : i32
    %add3A_65 = vector.broadcast %add3A_64 : i32 to vector<16xi32>
    %add3A_66 = arith.addi %get3A_63, %add3A_65 : vector<16xi32>
    %swap3A_67 = arith.constant 96 : index
    %swap3A_68 = tpu.vector_load %arg13[%swap3A_67] {strides = array<i32>} : memref<128xi32, #tpu.memory_space<vmem>>, vector<16xi32>,
    %swap3A_69 = vector.shape_cast %swap3A_68 : vector<16xi32> to vector<16xi32>
    %swap3A_70 = vector.shape_cast %add3A_66 : vector<16xi32> to vector<16xi32>
    tpu.vector_store %arg13[%swap3A_67], %swap3A_70 {strides = array<i32>} : memref<128xi32, #tpu.memory_space<vmem>>, vector<16xi32>,
    %get3A_71 = arith.constant 112 : index
    %get3A_72 = tpu.vector_load %arg13[%get3A_71] {strides = array<i32>} : memref<128xi32, #tpu.memory_space<vmem>>, vector<16xi32>,
    %get3A_73 = vector.shape_cast %get3A_72 : vector<16xi32> to vector<16xi32>
    %add3A_74 = arith.constant 128 : i32
    %add3A_75 = vector.broadcast %add3A_74 : i32 to vector<16xi32>
    %add3A_76 = arith.addi %get3A_73, %add3A_75 : vector<16xi32>
    %swap3A_77 = arith.constant 112 : index
    %swap3A_78 = tpu.vector_load %arg13[%swap3A_77] {strides = array<i32>} : memref<128xi32, #tpu.memory_space<vmem>>, vector<16xi32>,
    %swap3A_79 = vector.shape_cast %swap3A_78 : vector<16xi32> to vector<16xi32>
    %swap3A_80 = vector.shape_cast %add3A_76 : vector<16xi32> to vector<16xi32>
    tpu.vector_store %arg13[%swap3A_77], %swap3A_80 {strides = array<i32>} : memref<128xi32, #tpu.memory_space<vmem>>, vector<16xi32>,
    %dma_start3A = arith.constant 0 : i32
    %dma_start3A_81 = arith.constant 0 : i32
    %dma_start3A_82 = tpu.memref_slice %arg2[%dma_start3A, %dma_start3A_81] : memref<100001x128xf32, #tpu.memory_space<hbm>> -> memref<100001x128xf32, #tpu.memory_space<hbm>>
    tpu.enqueue_indirect_dma source(%dma_start3A_82 : memref<100001x128xf32, #tpu.memory_space<hbm>>) target(%arg14 : memref<128x128xf32, #tpu.memory_space<vmem>>) offsets(%arg11 : memref<128xi32, #tpu.memory_space<vmem>>) semaphore(%arg17 : memref<!tpu.dma_semaphore, #tpu.memory_space<semaphore_mem>>)
    %dma_start3A_83 = arith.constant 0 : i32
    %dma_start3A_84 = arith.constant 0 : i32
    %dma_start3A_85 = tpu.memref_slice %arg3[%dma_start3A_83, %dma_start3A_84] : memref<100001x128xf32, #tpu.memory_space<hbm>> -> memref<100001x128xf32, #tpu.memory_space<hbm>>
    tpu.enqueue_indirect_dma source(%dma_start3A_85 : memref<100001x128xf32, #tpu.memory_space<hbm>>) target(%arg15 : memref<128x128xf32, #tpu.memory_space<vmem>>) offsets(%arg12 : memref<128xi32, #tpu.memory_space<vmem>>) semaphore(%arg18 : memref<!tpu.dma_semaphore, #tpu.memory_space<semaphore_mem>>)
    %dma_start3A_86 = arith.constant 0 : i32
    %dma_start3A_87 = arith.constant 0 : i32
    %dma_start3A_88 = tpu.memref_slice %arg4[%dma_start3A_86, %dma_start3A_87] : memref<237x128xf32, #tpu.memory_space<hbm>> -> memref<237x128xf32, #tpu.memory_space<hbm>>
    tpu.enqueue_indirect_dma source(%dma_start3A_88 : memref<237x128xf32, #tpu.memory_space<hbm>>) target(%arg16 : memref<128x128xf32, #tpu.memory_space<vmem>>) offsets(%arg13 : memref<128xi32, #tpu.memory_space<vmem>>) semaphore(%arg19 : memref<!tpu.dma_semaphore, #tpu.memory_space<semaphore_mem>>)
    %dma_wait3A = arith.constant 0 : i32
    %dma_wait3A_89 = arith.constant 0 : i32
    %dma_wait3A_90 = tpu.memref_slice %arg2[%dma_wait3A, %dma_wait3A_89] : memref<100001x128xf32, #tpu.memory_space<hbm>> -> memref<100001x128xf32, #tpu.memory_space<hbm>>
    tpu.wait_indirect_dma semaphore(%arg17 : memref<!tpu.dma_semaphore, #tpu.memory_space<semaphore_mem>>) src(%dma_wait3A_90 : memref<100001x128xf32, #tpu.memory_space<hbm>>) dst(%arg14 : memref<128x128xf32, #tpu.memory_space<vmem>>)
    "tpu.region"() ({
      %run_scoped3A = tpu.sem_alloc : memref<!tpu.dma_semaphore, #tpu.memory_space<semaphore_mem>>
      %dma_start3A_97 = arith.constant 0 : i32
      %dma_start3A_98 = tpu.memref_slice %arg8[%mul3A_2, %dma_start3A_97] : memref<4096x128xf32, #tpu.memory_space<hbm>> -> memref<128x128xf32, #tpu.memory_space<hbm>>
      %dma_start3A_99 = arith.constant 0 : i32
      %dma_start3A_100 = tpu.memref_slice %arg8[%mul3A_2, %dma_start3A_99] : memref<4096x128xf32, #tpu.memory_space<hbm>> -> memref<128x128xf32, #tpu.memory_space<hbm>>
      tpu.enqueue_dma source(%arg14 : memref<128x128xf32, #tpu.memory_space<vmem>>) target(%dma_start3A_100 : memref<128x128xf32, #tpu.memory_space<hbm>>) target_semaphore(%run_scoped3A : memref<!tpu.dma_semaphore, #tpu.memory_space<semaphore_mem>>)
      %dma_wait3A_101 = arith.constant 0 : i32
      %dma_wait3A_102 = tpu.memref_slice %arg8[%mul3A_2, %dma_wait3A_101] : memref<4096x128xf32, #tpu.memory_space<hbm>> -> memref<128x128xf32, #tpu.memory_space<hbm>>
      %dma_wait3A_103 = arith.constant 0 : i32
      %dma_wait3A_104 = tpu.memref_slice %arg8[%mul3A_2, %dma_wait3A_103] : memref<4096x128xf32, #tpu.memory_space<hbm>> -> memref<128x128xf32, #tpu.memory_space<hbm>>
      tpu.wait_dma2 semaphore(%run_scoped3A : memref<!tpu.dma_semaphore, #tpu.memory_space<semaphore_mem>>) src(%arg14 : memref<128x128xf32, #tpu.memory_space<vmem>>) dst(%dma_wait3A_104 : memref<128x128xf32, #tpu.memory_space<hbm>>)
      tpu.yield
    }) : () -> ()
    %dma_wait3A_91 = arith.constant 0 : i32
    %dma_wait3A_92 = arith.constant 0 : i32
    %dma_wait3A_93 = tpu.memref_slice %arg3[%dma_wait3A_91, %dma_wait3A_92] : memref<100001x128xf32, #tpu.memory_space<hbm>> -> memref<100001x128xf32, #tpu.memory_space<hbm>>
    tpu.wait_indirect_dma semaphore(%arg18 : memref<!tpu.dma_semaphore, #tpu.memory_space<semaphore_mem>>) src(%dma_wait3A_93 : memref<100001x128xf32, #tpu.memory_space<hbm>>) dst(%arg15 : memref<128x128xf32, #tpu.memory_space<vmem>>)
    "tpu.region"() ({
      %run_scoped3A = tpu.sem_alloc : memref<!tpu.dma_semaphore, #tpu.memory_space<semaphore_mem>>
      %dma_start3A_97 = arith.constant 0 : i32
      %dma_start3A_98 = tpu.memref_slice %arg9[%mul3A_2, %dma_start3A_97] : memref<4096x128xf32, #tpu.memory_space<hbm>> -> memref<128x128xf32, #tpu.memory_space<hbm>>
      %dma_start3A_99 = arith.constant 0 : i32
      %dma_start3A_100 = tpu.memref_slice %arg9[%mul3A_2, %dma_start3A_99] : memref<4096x128xf32, #tpu.memory_space<hbm>> -> memref<128x128xf32, #tpu.memory_space<hbm>>
      tpu.enqueue_dma source(%arg15 : memref<128x128xf32, #tpu.memory_space<vmem>>) target(%dma_start3A_100 : memref<128x128xf32, #tpu.memory_space<hbm>>) target_semaphore(%run_scoped3A : memref<!tpu.dma_semaphore, #tpu.memory_space<semaphore_mem>>)
      %dma_wait3A_101 = arith.constant 0 : i32
      %dma_wait3A_102 = tpu.memref_slice %arg9[%mul3A_2, %dma_wait3A_101] : memref<4096x128xf32, #tpu.memory_space<hbm>> -> memref<128x128xf32, #tpu.memory_space<hbm>>
      %dma_wait3A_103 = arith.constant 0 : i32
      %dma_wait3A_104 = tpu.memref_slice %arg9[%mul3A_2, %dma_wait3A_103] : memref<4096x128xf32, #tpu.memory_space<hbm>> -> memref<128x128xf32, #tpu.memory_space<hbm>>
      tpu.wait_dma2 semaphore(%run_scoped3A : memref<!tpu.dma_semaphore, #tpu.memory_space<semaphore_mem>>) src(%arg15 : memref<128x128xf32, #tpu.memory_space<vmem>>) dst(%dma_wait3A_104 : memref<128x128xf32, #tpu.memory_space<hbm>>)
      tpu.yield
    }) : () -> ()
    %dma_wait3A_94 = arith.constant 0 : i32
    %dma_wait3A_95 = arith.constant 0 : i32
    %dma_wait3A_96 = tpu.memref_slice %arg4[%dma_wait3A_94, %dma_wait3A_95] : memref<237x128xf32, #tpu.memory_space<hbm>> -> memref<237x128xf32, #tpu.memory_space<hbm>>
    tpu.wait_indirect_dma semaphore(%arg19 : memref<!tpu.dma_semaphore, #tpu.memory_space<semaphore_mem>>) src(%dma_wait3A_96 : memref<237x128xf32, #tpu.memory_space<hbm>>) dst(%arg16 : memref<128x128xf32, #tpu.memory_space<vmem>>)
    "tpu.region"() ({
      %run_scoped3A = tpu.sem_alloc : memref<!tpu.dma_semaphore, #tpu.memory_space<semaphore_mem>>
      %dma_start3A_97 = arith.constant 0 : i32
      %dma_start3A_98 = tpu.memref_slice %arg10[%mul3A_2, %dma_start3A_97] : memref<4096x128xf32, #tpu.memory_space<hbm>> -> memref<128x128xf32, #tpu.memory_space<hbm>>
      %dma_start3A_99 = arith.constant 0 : i32
      %dma_start3A_100 = tpu.memref_slice %arg10[%mul3A_2, %dma_start3A_99] : memref<4096x128xf32, #tpu.memory_space<hbm>> -> memref<128x128xf32, #tpu.memory_space<hbm>>
      tpu.enqueue_dma source(%arg16 : memref<128x128xf32, #tpu.memory_space<vmem>>) target(%dma_start3A_100 : memref<128x128xf32, #tpu.memory_space<hbm>>) target_semaphore(%run_scoped3A : memref<!tpu.dma_semaphore, #tpu.memory_space<semaphore_mem>>)
      %dma_wait3A_101 = arith.constant 0 : i32
      %dma_wait3A_102 = tpu.memref_slice %arg10[%mul3A_2, %dma_wait3A_101] : memref<4096x128xf32, #tpu.memory_space<hbm>> -> memref<128x128xf32, #tpu.memory_space<hbm>>
      %dma_wait3A_103 = arith.constant 0 : i32
      %dma_wait3A_104 = tpu.memref_slice %arg10[%mul3A_2, %dma_wait3A_103] : memref<4096x128xf32, #tpu.memory_space<hbm>> -> memref<128x128xf32, #tpu.memory_space<hbm>>
      tpu.wait_dma2 semaphore(%run_scoped3A : memref<!tpu.dma_semaphore, #tpu.memory_space<semaphore_mem>>) src(%arg16 : memref<128x128xf32, #tpu.memory_space<vmem>>) dst(%dma_wait3A_104 : memref<128x128xf32, #tpu.memory_space<hbm>>)
      tpu.yield
    }) : () -> ()
    return
  }
}

module attributes {stable_mosaic.version = 14 : i64} {
  func.func @_tc_body(%arg0: i32, %arg1: memref<512x128xf32, #tpu.memory_space<vmem>>, %arg2: memref<512x128xf32, #tpu.memory_space<vmem>>, %arg3: memref<512x128xf32, #tpu.memory_space<vmem>>, %arg4: memref<512x8xf32, #tpu.memory_space<vmem>>, %arg5: memref<1x8xf32, #tpu.memory_space<vmem>>, %arg6: memref<1x8xf32, #tpu.memory_space<vmem>>, %arg7: memref<237x128xf32, #tpu.memory_space<vmem>>, %arg8: memref<1x128xf32, #tpu.memory_space<vmem>>, %arg9: memref<128x64xf32, #tpu.memory_space<vmem>>, %arg10: memref<1x64xf32, #tpu.memory_space<vmem>>, %arg11: memref<512x64xf32, #tpu.memory_space<vmem>>) attributes {dimension_semantics = [#tpu.dimension_semantics<arbitrary>], iteration_bounds = array<i64: 8>, scalar_prefetch = 0 : i64, scratch_operands = 0 : i64, tpu.core_type = #tpu.core_type<tc>, window_params = [{transform_indices = @transform_0, window_bounds = array<i64: 512, 128>}, {transform_indices = @transform_1, window_bounds = array<i64: 512, 128>}, {transform_indices = @transform_2, window_bounds = array<i64: 512, 128>}, {transform_indices = @transform_3, window_bounds = array<i64: 512, 8>}, {pipeline_mode = #tpu.pipeline_mode<synchronous>, transform_indices = @transform_4, window_bounds = array<i64: 1, 8>}, {pipeline_mode = #tpu.pipeline_mode<synchronous>, transform_indices = @transform_5, window_bounds = array<i64: 1, 8>}, {pipeline_mode = #tpu.pipeline_mode<synchronous>, transform_indices = @transform_6, window_bounds = array<i64: 237, 128>}, {pipeline_mode = #tpu.pipeline_mode<synchronous>, transform_indices = @transform_7, window_bounds = array<i64: 1, 128>}, {pipeline_mode = #tpu.pipeline_mode<synchronous>, transform_indices = @transform_8, window_bounds = array<i64: 128, 64>}, {pipeline_mode = #tpu.pipeline_mode<synchronous>, transform_indices = @transform_9, window_bounds = array<i64: 1, 64>}, {transform_indices = @transform_10, window_bounds = array<i64: 512, 64>}]} {
    %get3A = arith.constant 0 : index
    %get3A_0 = arith.constant 0 : index
    %get3A_1 = vector.load %arg4[%get3A, %get3A_0] : memref<512x8xf32, #tpu.memory_space<vmem>>, vector<512x8xf32>
    %get3A_2 = arith.constant 0 : index
    %get3A_3 = arith.constant 0 : index
    %get3A_4 = vector.load %arg5[%get3A_2, %get3A_3] : memref<1x8xf32, #tpu.memory_space<vmem>>, vector<1x8xf32>
    %sub3A = vector.broadcast %get3A_4 : vector<1x8xf32> to vector<512x8xf32>
    %sub3A_5 = arith.subf %get3A_1, %sub3A : vector<512x8xf32>
    %get3A_6 = arith.constant 0 : index
    %get3A_7 = arith.constant 0 : index
    %get3A_8 = vector.load %arg6[%get3A_6, %get3A_7] : memref<1x8xf32, #tpu.memory_space<vmem>>, vector<1x8xf32>
    %rsqrt3A = math.rsqrt %get3A_8 : vector<1x8xf32>
    %mul3A = vector.broadcast %rsqrt3A : vector<1x8xf32> to vector<512x8xf32>
    %mul3A_9 = arith.mulf %sub3A_5, %mul3A : vector<512x8xf32>
    %get3A_10 = arith.constant 0 : index
    %get3A_11 = arith.constant 0 : index
    %get3A_12 = vector.load %arg3[%get3A_10, %get3A_11] : memref<512x128xf32, #tpu.memory_space<vmem>>, vector<512x128xf32>
    %get3A_13 = arith.constant 0 : index
    %get3A_14 = arith.constant 0 : index
    %get3A_15 = vector.load %arg8[%get3A_13, %get3A_14] : memref<1x128xf32, #tpu.memory_space<vmem>>, vector<1x128xf32>
    %add3A = vector.broadcast %get3A_15 : vector<1x128xf32> to vector<512x128xf32>
    %add3A_16 = arith.addf %get3A_12, %add3A : vector<512x128xf32>
    %get3A_17 = arith.constant 0 : index
    %get3A_18 = arith.constant 0 : index
    %get3A_19 = vector.load %arg1[%get3A_17, %get3A_18] : memref<512x128xf32, #tpu.memory_space<vmem>>, vector<512x64xf32>
    %get3A_20 = arith.constant 0 : index
    %get3A_21 = arith.constant 0 : index
    %get3A_22 = vector.load %arg7[%get3A_20, %get3A_21] : memref<237x128xf32, #tpu.memory_space<vmem>>, vector<64x128xf32>
    %dot_general3A = arith.constant dense<0.000000e+00> : vector<512x128xf32>
    %dot_general3A_23 = tpu.matmul %get3A_19, %get3A_22, %dot_general3A {dimension_numbers = #tpu.dot_dimension_numbers<[1], [0], [0], [1], [0, 0, 1, 1], [], []>, transpose_lhs_hint = false} : vector<512x64xf32>, vector<64x128xf32>, vector<512x128xf32> -> vector<512x128xf32>
    %add3A_24 = arith.addf %add3A_16, %dot_general3A_23 : vector<512x128xf32>
    %get3A_25 = arith.constant 0 : index
    %get3A_26 = arith.constant 0 : index
    %get3A_27 = vector.load %arg2[%get3A_25, %get3A_26] : memref<512x128xf32, #tpu.memory_space<vmem>>, vector<512x64xf32>
    %get3A_28 = arith.constant 64 : index
    %get3A_29 = arith.constant 0 : index
    %get3A_30 = vector.load %arg7[%get3A_28, %get3A_29] : memref<237x128xf32, #tpu.memory_space<vmem>>, vector<64x128xf32>
    %dot_general3A_31 = arith.constant dense<0.000000e+00> : vector<512x128xf32>
    %dot_general3A_32 = tpu.matmul %get3A_27, %get3A_30, %dot_general3A_31 {dimension_numbers = #tpu.dot_dimension_numbers<[1], [0], [0], [1], [0, 0, 1, 1], [], []>, transpose_lhs_hint = false} : vector<512x64xf32>, vector<64x128xf32>, vector<512x128xf32> -> vector<512x128xf32>
    %add3A_33 = arith.addf %add3A_24, %dot_general3A_32 : vector<512x128xf32>
    %get3A_34 = arith.constant 229 : index
    %get3A_35 = arith.constant 0 : index
    %get3A_36 = vector.load %arg7[%get3A_34, %get3A_35] : memref<237x128xf32, #tpu.memory_space<vmem>>, vector<8x128xf32>
    %dot_general3A_37 = arith.constant dense<0.000000e+00> : vector<512x128xf32>
    %dot_general3A_38 = tpu.matmul %mul3A_9, %get3A_36, %dot_general3A_37 {dimension_numbers = #tpu.dot_dimension_numbers<[1], [0], [0], [1], [0, 0, 1, 1], [], []>, transpose_lhs_hint = false} : vector<512x8xf32>, vector<8x128xf32>, vector<512x128xf32> -> vector<512x128xf32>
    %add3A_39 = arith.addf %add3A_33, %dot_general3A_38 : vector<512x128xf32>
    %max3A = arith.constant 0.000000e+00 : f32
    %max3A_40 = vector.broadcast %max3A : f32 to vector<512x128xf32>
    %max3A_41 = arith.maximumf %add3A_39, %max3A_40 : vector<512x128xf32>
    %get3A_42 = arith.constant 0 : index
    %get3A_43 = arith.constant 0 : index
    %get3A_44 = vector.load %arg9[%get3A_42, %get3A_43] : memref<128x64xf32, #tpu.memory_space<vmem>>, vector<128x64xf32>
    %dot_general3A_45 = arith.constant dense<0.000000e+00> : vector<512x64xf32>
    %dot_general3A_46 = tpu.matmul %max3A_41, %get3A_44, %dot_general3A_45 {dimension_numbers = #tpu.dot_dimension_numbers<[1], [0], [0], [1], [0, 0, 1, 1], [], []>, transpose_lhs_hint = false} : vector<512x128xf32>, vector<128x64xf32>, vector<512x64xf32> -> vector<512x64xf32>
    %get3A_47 = arith.constant 0 : index
    %get3A_48 = arith.constant 0 : index
    %get3A_49 = vector.load %arg10[%get3A_47, %get3A_48] : memref<1x64xf32, #tpu.memory_space<vmem>>, vector<1x64xf32>
    %add3A_50 = vector.broadcast %get3A_49 : vector<1x64xf32> to vector<512x64xf32>
    %add3A_51 = arith.addf %dot_general3A_46, %add3A_50 : vector<512x64xf32>
    %swap3A = arith.constant 0 : index
    %swap3A_52 = arith.constant 0 : index
    %swap3A_53 = vector.load %arg11[%swap3A, %swap3A_52] : memref<512x64xf32, #tpu.memory_space<vmem>>, vector<512x64xf32>
    tpu.vector_store %arg11[%swap3A, %swap3A_52], %add3A_51 {strides = array<i32>} : memref<512x64xf32, #tpu.memory_space<vmem>>, vector<512x64xf32>,
    return
  }
  func.func @transform_0(%arg0: i32) -> (i32, i32) {
    %c0_i32 = arith.constant 0 : i32
    %c0_i32_0 = arith.constant 0 : i32
    return %arg0, %c0_i32 : i32, i32
  }
  func.func @transform_1(%arg0: i32) -> (i32, i32) {
    %c0_i32 = arith.constant 0 : i32
    %c0_i32_0 = arith.constant 0 : i32
    return %arg0, %c0_i32 : i32, i32
  }
  func.func @transform_2(%arg0: i32) -> (i32, i32) {
    %c0_i32 = arith.constant 0 : i32
    %c0_i32_0 = arith.constant 0 : i32
    return %arg0, %c0_i32 : i32, i32
  }
  func.func @transform_3(%arg0: i32) -> (i32, i32) {
    %c0_i32 = arith.constant 0 : i32
    %c0_i32_0 = arith.constant 0 : i32
    return %arg0, %c0_i32 : i32, i32
  }
  func.func @transform_4(%arg0: i32) -> (i32, i32) {
    %c0_i32 = arith.constant 0 : i32
    %c0_i32_0 = arith.constant 0 : i32
    %c0_i32_1 = arith.constant 0 : i32
    return %c0_i32, %c0_i32_0 : i32, i32
  }
  func.func @transform_5(%arg0: i32) -> (i32, i32) {
    %c0_i32 = arith.constant 0 : i32
    %c0_i32_0 = arith.constant 0 : i32
    %c0_i32_1 = arith.constant 0 : i32
    return %c0_i32, %c0_i32_0 : i32, i32
  }
  func.func @transform_6(%arg0: i32) -> (i32, i32) {
    %c0_i32 = arith.constant 0 : i32
    %c0_i32_0 = arith.constant 0 : i32
    %c0_i32_1 = arith.constant 0 : i32
    return %c0_i32, %c0_i32_0 : i32, i32
  }
  func.func @transform_7(%arg0: i32) -> (i32, i32) {
    %c0_i32 = arith.constant 0 : i32
    %c0_i32_0 = arith.constant 0 : i32
    %c0_i32_1 = arith.constant 0 : i32
    return %c0_i32, %c0_i32_0 : i32, i32
  }
  func.func @transform_8(%arg0: i32) -> (i32, i32) {
    %c0_i32 = arith.constant 0 : i32
    %c0_i32_0 = arith.constant 0 : i32
    %c0_i32_1 = arith.constant 0 : i32
    return %c0_i32, %c0_i32_0 : i32, i32
  }
  func.func @transform_9(%arg0: i32) -> (i32, i32) {
    %c0_i32 = arith.constant 0 : i32
    %c0_i32_0 = arith.constant 0 : i32
    %c0_i32_1 = arith.constant 0 : i32
    return %c0_i32, %c0_i32_0 : i32, i32
  }
  func.func @transform_10(%arg0: i32) -> (i32, i32) {
    %c0_i32 = arith.constant 0 : i32
    %c0_i32_0 = arith.constant 0 : i32
    return %arg0, %c0_i32 : i32, i32
  }
}

module attributes {stable_mosaic.version = 14 : i64} {
  func.func @_detile_body(%arg0: i32, %arg1: memref<64x8192xf32, #tpu.memory_space<vmem>>, %arg2: memref<64x8192xf32, #tpu.memory_space<vmem>>, %arg3: memref<1048576xf32, #tpu.memory_space<vmem>>, %arg4: memref<1048576xf32, #tpu.memory_space<vmem>>) attributes {dimension_semantics = [#tpu.dimension_semantics<arbitrary>], iteration_bounds = array<i64: 13>, scalar_prefetch = 0 : i64, scratch_operands = 0 : i64, tpu.core_type = #tpu.core_type<tc>, window_params = [{transform_indices = @transform_0, window_bounds = array<i64: 64, 8192>}, {transform_indices = @transform_1, window_bounds = array<i64: 64, 8192>}, {transform_indices = @transform_2, window_bounds = array<i64: 1048576>}, {transform_indices = @transform_3, window_bounds = array<i64: 1048576>}]} {
    %get3A = arith.constant 0 : index
    %get3A_0 = arith.constant 0 : index
    %get3A_1 = vector.load %arg1[%get3A, %get3A_0] : memref<64x8192xf32, #tpu.memory_space<vmem>>, vector<64x8192xf32>
    %transpose3A = tpu.transpose %get3A_1, [1, 0] : vector<64x8192xf32> -> vector<8192x64xf32>
    %get3A_2 = arith.constant 0 : index
    %get3A_3 = arith.constant 0 : index
    %get3A_4 = vector.load %arg2[%get3A_2, %get3A_3] : memref<64x8192xf32, #tpu.memory_space<vmem>>, vector<64x8192xf32>
    %transpose3A_5 = tpu.transpose %get3A_4, [1, 0] : vector<64x8192xf32> -> vector<8192x64xf32>
    %concatenate3A = tpu.concatenate %transpose3A, %transpose3A in 1 : vector<8192x64xf32>, vector<8192x64xf32> -> vector<8192x128xf32>
    %reshape3A = vector.shape_cast %concatenate3A : vector<8192x128xf32> to vector<1048576xf32>
    %swap3A = arith.constant 0 : index
    %swap3A_6 = vector.load %arg3[%swap3A] : memref<1048576xf32, #tpu.memory_space<vmem>>, vector<1048576xf32>
    tpu.vector_store %arg3[%swap3A], %reshape3A {strides = array<i32>} : memref<1048576xf32, #tpu.memory_space<vmem>>, vector<1048576xf32>,
    %concatenate3A_7 = tpu.concatenate %transpose3A_5, %transpose3A_5 in 1 : vector<8192x64xf32>, vector<8192x64xf32> -> vector<8192x128xf32>
    %reshape3A_8 = vector.shape_cast %concatenate3A_7 : vector<8192x128xf32> to vector<1048576xf32>
    %swap3A_9 = arith.constant 0 : index
    %swap3A_10 = vector.load %arg4[%swap3A_9] : memref<1048576xf32, #tpu.memory_space<vmem>>, vector<1048576xf32>
    tpu.vector_store %arg4[%swap3A_9], %reshape3A_8 {strides = array<i32>} : memref<1048576xf32, #tpu.memory_space<vmem>>, vector<1048576xf32>,
    return
  }
  func.func @transform_0(%arg0: i32) -> (i32, i32) {
    %c0_i32 = arith.constant 0 : i32
    %c0_i32_0 = arith.constant 0 : i32
    return %c0_i32, %arg0 : i32, i32
  }
  func.func @transform_1(%arg0: i32) -> (i32, i32) {
    %c0_i32 = arith.constant 0 : i32
    %c0_i32_0 = arith.constant 0 : i32
    return %c0_i32, %arg0 : i32, i32
  }
  func.func @transform_2(%arg0: i32) -> i32 {
    %c0_i32 = arith.constant 0 : i32
    return %arg0 : i32
  }
  func.func @transform_3(%arg0: i32) -> i32 {
    %c0_i32 = arith.constant 0 : i32
    return %arg0 : i32
  }
}

</mosaic_0001>

<sc_bundles>
// kernel: kernel.5.cloned.1.call-start
scs
__scs_entry_jumppad:
0x0: {  	(pc) =	sbr.rel $0x88, $3  }
0x1: {  	(tag) =	ssettag $0x0;
	lr =	simm.s32 $0x1  }
0x2: {  	[smem:$0x3F8E] =	sst lr;
	_ =	strace $0xD0000000  }
0x3: {  	_ = 	snop  }
0x4: {  	_ = 	snop  }
0x5: {  	_ = 	snop  }
0x6: {  	_ = 	snop  }
0x7: {  	_ = 	snop  }
__scs_overlays_trampoline_lowered:
0x8: {  	[smem:$0x3F9D] =	sst s0  }
0x9: {  	[smem:$0x3F9E] =	sst s1  }
0xa: {  	[smem:$0x3F9F] =	sst s2  }
0xb: {  	[smem:$0x3FA0] =	sst s3  }
0xc: {  	[smem:$0x3FA1] =	sst s4  }
0xd: {  	[smem:$0x3FA2] =	sst s5  }
0xe: {  	[smem:$0x3FA3] =	sst s6  }
0xf: {  	[smem:$0x3FA4] =	sst s7  }
0x10: {  	[smem:$0x3FA5] =	sst s8  }
0x11: {  	[smem:$0x3FA6] =	sst s9;
	s0 =	simm.s32 @!p0 $0x0  }
0x12: {  	s1 =	sld [smem:$0x3F8C];
	s0 =	simm.s32 @p0 $0x1  }
0x13: {  	[smem:$0x3FA7] =	sst s0;
	s0 =	simm.s32 @!p1 $0x0  }
0x14: {  	s2 =	sld [smem:$0x3F8B];
	s0 =	simm.s32 @p1 $0x1  }
0x15: {  	[smem:$0x3FA8] =	sst s0;
	s0 =	simm.s32 @!p2 $0x0  }
0x16: {  	s3 =	sld [smem:$0x3FDB];
	s0 =	simm.s32 @p2 $0x1  }
0x17: {  	s4 =	simm.s32 $0x1BF5;
	[smem:$0x3FAA] =	sst s0  }
0x18: {  	s0 =	sld [smem:$0x3F8D];
	_ =	swait.ge [sflag:s4], $0x0  }
0x19: {  	s7 =	sld [smem:$0x3F8E]  }
0x1a: {  	s8 =	sadd.s32 $0xFFFFE003, lr  }
0x1b: {  	s9 =	sadd.s32 $0xFFFFFEF7, lr;
	s5 =	simm.s32 $0xFFFFFFFF;
	p2 =	slt.u32 s8, $0xFFFFF086  }
0x1c: {  	p1 =	slt.u32 s9, $0xF7A;
	s5 =	simm.s32 @!p2 $0x0  }
0x1d: {  	s5 =	simm.s32 @p1 $0x1;
	p0 =	seq.s32 s7, s2  }
0x1e: {  	s7 =	smul.u32 @!p0 $0xF7A, s2;
	p2 =	seq.s32 @!p0 s5, $0x0  }
0x1f: {  	s9 =	smul.u32 $0xF7A, s1;
	s8 =	simm.s32 @!p0 $0x1BF5;
	p2 =	por !p2, p0  }
0x20: {  	[sflag:s8] =	ssyncset.s32 @!p0 $0xFFFFF086;
	s6 =	sadd.s32 @!p0 s3, s7;
	s7 =	simm.s32 @!p0 $0x108  }
0x21: {  	s3 =	sadd.s32 s3, s9;
	s6 =	sadd.s32 @!p0 $0x88, s6;
	s7 =	simm.s32 @p2 $0x1082  }
0x22: {  	[simem:s7], [sflag:s8] =	dma.local @!p0 [hbm:s6], $0xF7A  }
0x23: {  	s9 =	sor.u32 $0xD0000000, s2;
	s6 =	simm.s32 $0x108;
	_ =	swait.ge @!p0 [sflag:s8], $0x0  }
0x24: {  	s3 =	sadd.s32 $0x88, s3;
	s6 =	simm.s32 @!p1 $0x1082;
	[sflag:s4] =	ssyncset.s32 $0xFFFFF086  }
0x25: {  	[simem:s6], [sflag:s4] =	dma.local [hbm:s3], $0xF7A  }
0x26: {  	[smem:$0x3F8E] =	sst s1;
	(tag) =	ssettag s2;
	_ =	strace s9  }
0x27: {  	s1 =	sld [smem:$0x3F9E]  }
0x28: {  	s2 =	sld [smem:$0x3F9F]  }
0x29: {  	s4 =	sld [smem:$0x3FA1]  }
0x2a: {  	p0 =	seq.s32 s5, $0x0;
	s5 =	sld [smem:$0x3FA2]  }
0x2b: {  	s6 =	sld [smem:$0x3FA3]  }
0x2c: {  	s7 =	sld [smem:$0x3FA4]  }
0x2d: {  	s3 =	simm.s32 $0x108;
	s8 =	sld [smem:$0x3FA5]  }
0x2e: {  	s3 =	simm.s32 @!p0 $0x1082;
	s9 =	sld [smem:$0x3FA6]  }
0x2f: {  	lr =	sadd.s32 s0, s3;
	s0 =	sld [smem:$0x3F9D]  }
0x30: {  	s3 =	sld [smem:$0x3FA0]  }
0x31: {  	[smem:$0x3FA9] =	sst s10  }
0x32: {  	s10 =	sld [smem:$0x3FA7];
	_ =	sdelay $0x3  }
0x33: {  	p0 =	seq.s32 s10, $0x1;
	s10 =	sld [smem:$0x3FA9];
	_ =	sdelay $0x3  }
0x34: {  	[smem:$0x3FA9] =	sst s10  }
0x35: {  	s10 =	sld [smem:$0x3FA8];
	_ =	sdelay $0x3  }
0x36: {  	p1 =	seq.s32 s10, $0x1;
	s10 =	sld [smem:$0x3FA9];
	_ =	sdelay $0x3  }
0x37: {  	[smem:$0x3FA9] =	sst s10  }
0x38: {  	s10 =	sld [smem:$0x3FAA]  }
0x39: {  	_ = 	snop;
	(pc) =	sbr.ind lr, $3  }
0x3a: {  	_ = 	snop  }
0x3b: {  	_ = 	snop  }
0x3c: {  	p2 =	seq.s32 s10, $0x1;
	s10 =	sld [smem:$0x3FA9]  }
0x3d: {  	_ =	shalt  }
0x3e: {  	_ =	shalt  }
0x3f: {  	_ =	shalt  }
0x40: {  	_ =	shalt  }
0x41: {  	_ =	shalt  }
0x42: {  	_ =	shalt  }
0x43: {  	_ =	shalt  }
0x44: {  	_ =	shalt  }
0x45: {  	_ =	shalt  }
0x46: {  	_ =	shalt  }
0x47: {  	_ =	shalt  }
0x48: {  	_ =	shalt  }
0x49: {  	_ =	shalt  }
0x4a: {  	_ =	shalt  }
0x4b: {  	_ =	shalt  }
0x4c: {  	_ =	shalt  }
0x4d: {  	_ =	shalt  }
0x4e: {  	_ =	shalt  }
0x4f: {  	_ =	shalt  }
0x50: {  	_ =	shalt  }
0x51: {  	_ =	shalt  }
0x52: {  	_ =	shalt  }
0x53: {  	_ =	shalt  }
0x54: {  	_ =	shalt  }
0x55: {  	_ =	shalt  }
0x56: {  	_ =	shalt  }
0x57: {  	_ =	shalt  }
0x58: {  	_ =	shalt  }
0x59: {  	_ =	shalt  }
0x5a: {  	_ =	shalt  }
0x5b: {  	_ =	shalt  }
0x5c: {  	_ =	shalt  }
0x5d: {  	_ =	shalt  }
0x5e: {  	_ =	shalt  }
0x5f: {  	_ =	shalt  }
0x60: {  	_ =	shalt  }
0x61: {  	_ =	shalt  }
0x62: {  	_ =	shalt  }
0x63: {  	_ =	shalt  }
0x64: {  	_ =	shalt  }
0x65: {  	_ =	shalt  }
0x66: {  	_ =	shalt  }
0x67: {  	_ =	shalt  }
0x68: {  	_ =	shalt  }
0x69: {  	_ =	shalt  }
0x6a: {  	_ =	shalt  }
0x6b: {  	_ =	shalt  }
0x6c: {  	_ =	shalt  }
0x6d: {  	_ =	shalt  }
0x6e: {  	_ =	shalt  }
0x6f: {  	_ =	shalt  }
0x70: {  	_ =	shalt  }
0x71: {  	_ =	shalt  }
0x72: {  	_ =	shalt  }
0x73: {  	_ =	shalt  }
0x74: {  	_ =	shalt  }
0x75: {  	_ =	shalt  }
0x76: {  	_ =	shalt  }
0x77: {  	_ =	shalt  }
0x78: {  	_ =	shalt  }
0x79: {  	_ =	shalt  }
0x7a: {  	_ =	shalt  }
0x7b: {  	_ =	shalt  }
0x7c: {  	_ =	shalt  }
0x7d: {  	_ =	shalt  }
0x7e: {  	_ =	shalt  }
0x7f: {  	_ =	shalt  }
0x80: {  	_ =	shalt  }
0x81: {  	_ =	shalt  }
0x82: {  	_ =	shalt  }
0x83: {  	_ =	shalt  }
0x84: {  	_ =	shalt  }
0x85: {  	_ =	shalt  }
0x86: {  	_ =	shalt  }
0x87: {  	_ =	shalt  }
.Lfunc_end0:
.L_simem_size_0:
called_computation_lowered:
.L_overlay_start_0:
0x88: {  	s2 =	sld [smem:$0x3FD9]  }
0x89: {  	s3 =	sld [smem:$0x3FFE];
	_ =	sdelay $0x1  }
0x8a: {  	s1 =	srdreg.scid  }
0x8b: {  	s0 =	sand.u32 $0x1, s1  }
0x8c: {  	s17 =	sshll.u32 s0, $0xA;
	s2 =	sadd.s32 s3, s2  }
0x8d: {  	s2 =	sadd.s32 s2, s17  }
0x8e: {  	[smem:$0x3FB5] =	sst s2  }
0x8f: {  	_ = 	snop  }
0x90: {  	s2 =	sld [smem:$0x3FC9]  }
0x91: {  	s18 =	sld [smem:$0x3FC8]  }
0x92: {  	s4 =	sld [smem:$0x3FC7]  }
0x93: {  	s5 =	sld [smem:$0x3FBA];
	(tm) =	ssettm $0x1  }
0x94: {  	s6 =	sld [smem:$0x3FFB];
	_ =	sdelay $0x3  }
0x95: {  	_ =	strace s6  }
0x96: {  	s6 =	sld [smem:$0x3FFC];
	_ =	sdelay $0x3  }
0x97: {  	_ =	strace s6  }
0x98: {  	s6 =	sld [smem:$0x3FFD];
	_ =	sdelay $0x3  }
0x99: {  	_ =	strace s6  }
0x9a: {  	_ =	strace $0x8FFFFFFF  }
0x9b: {  	s19 =	sld [smem:$0x3FDB];
	_ =	sdelay $0x1  }
0x9c: {  	s7 =	simm.s32 $_scs_section_size  }
0x9d: {  	s8 =	simm.s32 $_size__tile_overlayer_lowered;
	s9 =	simm.s32 $_tile_overlayer_lowered  }
0x9e: {  	s22 =	simm.s32 $0x1BFF;
	s21 =	sshll.u32 s9, $0x1;
	s6 =	sadd.s32 s7, s19  }
0x9f: {  	s10 =	simm.s32 $0x0;
	s20 =	sshll.u32 s8, $0x1;
	s8 =	sadd.s32 s21, s6  }
0xa0: {  	[timem:s10], [sflag:s22] =	dma.local [hbm:s8], s20  }
0xa1: {  	_ =	swait.ge [sflag:s22], s20  }
0xa2: {  	s7 =	ssub.s32 $0x0, s20;
	[sflag:s22] =	ssyncset.done $0x0  }
0xa3: {  	[sflag:s22] =	ssyncadd.s32 s7;
	_ =	sdelay $0x1  }
0xa4: {  	s23 =	simm.s32 $0x1B8B  }
0xa5: {  	_ =	swait.ge [sflag:s23], $0x1  }
0xa6: {  	[sflag:s23] =	ssyncset.done $0x0  }
0xa7: {  	s25 =	simm.s32 $0x1B8E;
	s24 =	sld [smem:$0x3FFE];
	[sflag:s23] =	ssyncadd.s32 $0xFFFFFFFF  }
0xa8: {  	s26 =	simm.s32 $execute0_lowered;
	[smem:$0x3FD2] =	sst s25  }
0xa9: {  	s8 =	sshll.u32 s26, $0x1;
	_ =	strace $0x80000046;
	[dreg:$0x1] =	wrdreg $0xFFFFFFFF  }
0xaa: {  	s28 =	simm.s32 $_size_execute0_lowered;
	s6 =	sadd.s32 s6, s8;
	[dreg:$0x0] =	wrdreg $0x0  }
0xab: {  	s8 =	sshll.u32 s28, $0x1;
	[dreg:$0x2] =	wrdreg s6  }
0xac: {  	[dreg:$0x3] =	wrdreg s8  }
0xad: {  	[dreg:$0x4] =	wrdreg $0xC0  }
0xae: {  	_ =	task [dreg:s10], $0x5FFFF  }
0xaf: {  	[dreg:$0x1] =	wrdreg $0xFFFFFFFF  }
0xb0: {  	[dreg:$0x0] =	wrdreg $0x60  }
0xb1: {  	[dreg:$0x2] =	wrdreg s24  }
0xb2: {  	[dreg:$0x3] =	wrdreg s5  }
0xb3: {  	[dreg:$0x4] =	wrdreg s2  }
0xb4: {  	[dreg:$0x5] =	wrdreg s18  }
0xb5: {  	[dreg:$0x6] =	wrdreg s4  }
0xb6: {  	[dreg:$0x7] =	wrdreg $0x9  }
0xb7: {  	_ =	task.clear_ibuf [dreg:s10], $0x8FFFF;
	_ =	strace $0x90000046  }
0xb8: {  	s29 =	simm.s32 $0x9;
	_ =	strace $0x80000048  }
0xb9: {  	_ =	swait.ge [sflag:s29], $0x1  }
0xba: {  	[sflag:s29] =	ssyncadd.s32 $0xFFFFFFFF  }
0xbb: {  	_ =	strace $0x90000048  }
0xbc: {  	_ =	sfence  }
0xbd: {  	s30 =	sld [smem:$0x0];
	_ =	sdelay $0x2  }
0xbe: {  	s31 =	sshll.u32 s1, $0xD;
	s1 =	sshrl.u32 s1, $0x2  }
0xbf: {  	s3 =	sand.u32 $0x4000, s31;
	s1 =	sadd.s32 s1, s30  }
0xc0: {  	s0 =	sor.u32 s3, s0;
	s1 =	sshll.u32 s1, $0x11  }
0xc1: {  	s0 =	sor.u32 s1, s0  }
0xc2: {  	s0 =	sadd.s32 $0x8F2B, s0  }
0xc3: {  	[sflag:s0] =	ssyncadd.remote.s32 $0x1  }
0xc4: {  	_ =	sfence.sel $0xFFFF  }
0xc5: {  	[dreg:$0x0] =	wrdreg $0xFFFFFFFF;
	(pc) =	sbr.abs _section_cstart, $3  }
0xc6: {  	[dreg:$0x1] =	wrdreg $0xFFFFFFFF  }
0xc7: {  	_ =	task.clear_ibuf [dreg:s10], $0x2FFFF;
	_ =	strace $0x9FFFFFFF  }
0xc8: {  	(tm) =	ssettm $0x7FFFFFFF  }
0xc9: {  	_ =	shalt  }
tec
execute0_lowered:
.L_overlay_start_1:
0x0: {  	(tag) =	ssettag $0x1  }
0x1: {  	s16 =	rddreg [dreg:$0x0]  }
0x2: {  	s2 =	rddreg [dreg:$0x1]  }
0x3: {  	s4 =	rddreg [dreg:$0x2];
	s1 =	srdreg.scid  }
0x4: {  	s6 =	rddreg [dreg:$0x3];
	s0 =	stileid.u32;
	s17 =	sand.u32 $0x1, s1  }
0x5: {  	s8 =	rddreg [dreg:$0x4];
	s5 =	sshll.u32 s0, $0x8;
	s7 =	sshll.u32 s17, $0x7  }
0x6: {  	s3 =	simm.s32 $0x0;
	s1 =	rddreg [dreg:$0x5];
	s18 =	sor.u32 s7, s5  }
0x7: {  	[smem:$0x7FF] =	sst s3;
	s9 =	sshrl.u32 s18, $0x3  }
0x8: {  	_ =	strace $0x80000047;
	s5 =	sadd.s32 s4, s9;
	s4 =	simm.s32 $0x4  }
0x9: {  	[tilespmem:s3], [sflag:$0x4] =	stream.linear.gather [hbm4b:s5+s3], $0x80, $0x38;
	[tilespmem:$0xC180] =	vst v63  }
0xa: {  	_ =	swait.ge [sflag:s4], $0x80  }
0xb: {  	[sflag:s4] =	ssyncset.done $0x0  }
0xc: {  	s7 =	simm.s32 $0x80;
	s6 =	sadd.s32 s6, s9;
	[sflag:s4] =	ssyncadd.s32 $0xFFFFFF80  }
0xd: {  	[tilespmem:s7], [sflag:$0x4] =	stream.linear.gather [hbm4b:s6+s3], $0x80, $0x38;
	[tilespmem:$0xC180] =	vst v63  }
0xe: {  	_ =	swait.ge [sflag:s4], $0x80  }
0xf: {  	[sflag:s4] =	ssyncset.done $0x0  }
0x10: {  	s8 =	sadd.s32 s8, s9;
	s9 =	simm.s32 $0x100;
	[sflag:s4] =	ssyncadd.s32 $0xFFFFFF80  }
0x11: {  	[tilespmem:s9], [sflag:$0x4] =	stream.linear.gather [hbm4b:s8+s3], $0x80, $0x38;
	[tilespmem:$0xC180] =	vst v63  }
0x12: {  	_ =	swait.ge [sflag:s4], $0x80  }
0x13: {  	[sflag:s4] =	ssyncset.done $0x0  }
0x14: {  	[sflag:s4] =	ssyncadd.s32 $0xFFFFFF80  }
0x15: {  	v0 =	vld [tilespmem:$0x170]  }
0x16: {  	v1 =	vld [tilespmem:$0x160]  }
0x17: {  	v2 =	vld [tilespmem:$0x150]  }
0x18: {  	v3 =	vld [tilespmem:$0x130]  }
0x19: {  	v4 =	vld [tilespmem:$0x120]  }
0x1a: {  	v5 =	vld [tilespmem:$0x110];
	v0 =	vadd.s32 $0x80, v0  }
0x1b: {  	v6 =	vld [tilespmem:$0x140];
	v1 =	vadd.s32 $0x80, v1;
	[tilespmem:$0x170] =	vst v0  }
0x1c: {  	v59 =	vld [tilespmem:$0x100];
	v2 =	vadd.s32 $0x80, v2;
	[tilespmem:$0x160] =	vst v1  }
0x1d: {  	v60 =	vadd.s32 $0x80, v3;
	[tilespmem:$0x150] =	vst v2  }
0x1e: {  	v61 =	vadd.s32 $0x80, v4;
	[tilespmem:$0x130] =	vst v60  }
0x1f: {  	v62 =	vadd.s32 $0x80, v5;
	[tilespmem:$0x120] =	vst v61  }
0x20: {  	v63 =	vadd.s32 $0x80, v6;
	[tilespmem:$0x110] =	vst v62  }
0x21: {  	v0 =	vadd.s32 $0x80, v59;
	[tilespmem:$0x140] =	vst v63  }
0x22: {  	s11 =	simm.s32 $0x180;
	s10 =	sadd.s32 $0x2C00, s16;
	[tilespmem:$0x100] =	vst v0  }
0x23: {  	[tilespmem:s11], [sflag:$0x1] =	stream.indirect.gather [hbm4b:s10+s7], $0x80, s3, s7, $0xb8;
	[tilespmem:$0xC180] =	vst v63  }
0x24: {  	s14 =	simm.s32 $0x4180;
	s13 =	sadd.s32 $0x189800, s16  }
0x25: {  	[tilespmem:s14], [sflag:$0x2] =	stream.indirect.gather [hbm4b:s13+s7], $0x80, s7, s7, $0xb8;
	[tilespmem:$0xC180] =	vst v63  }
0x26: {  	s12 =	simm.s32 $0x8180;
	s15 =	simm.s32 $0x1  }
0x27: {  	[tilespmem:s12], [sflag:$0x3] =	stream.indirect.gather [hbm4b:s2+s7], $0x80, s9, s7, $0xb8;
	[tilespmem:$0xC180] =	vst v63  }
0x28: {  	s18 =	sshll.u32 s18, $0x4;
	_ =	swait.ge [sflag:s15], $0x4000  }
0x29: {  	s18 =	sadd.s32 s18, s16;
	[sflag:s15] =	ssyncset.done $0x0  }
0x2a: {  	s19 =	ssub.s32 $0x2, s17;
	s16 =	sadd.s32 $0x310400, s18;
	[sflag:s15] =	ssyncadd.s32 $0xFFFFC000  }
0x2b: {  	[hbm4b:s16+s3] =	stream.linear.scatter [tilespmem:s11], [sflag:$0x4], $0x4000, $0x38;
	[tilespmem:$0xC180] =	vst v63  }
0x2c: {  	s20 =	sshrl.u32 s19, $0x1;
	_ =	swait.ge [sflag:s4], $0x4000  }
0x2d: {  	s20 =	ssub.s32 s19, s20;
	[sflag:s4] =	ssyncset.done $0x0  }
0x2e: {  	s17 =	simm.s32 $0x2;
	s21 =	smax.u32 s20, $0x1;
	[sflag:s4] =	ssyncadd.s32 $0xFFFFC000  }
0x2f: {  	p0 =	sne.s32 s21, $0x1;
	_ =	swait.ge [sflag:s17], $0x4000  }
.Ltmp0:
0x30: {  	[sflag:s17] =	ssyncset.done $0x0;
	(pc) =	sbr.rel @!p0 .LBB2_2-.Ltmp0, $4  }
0x31: {  	s19 =	sadd.s32 $0x320400, s18;
	[sflag:s17] =	ssyncadd.s32 $0xFFFFC000  }
0x32: {  	[hbm4b:s19+s3] =	stream.linear.scatter [tilespmem:s14], [sflag:$0x4], $0x4000, $0x38;
	[tilespmem:$0xC180] =	vst v63  }
0x33: {  	s20 =	simm.s32 $0x3;
	_ =	swait.ge [sflag:s4], $0x4000  }
0x34: {  	s18 =	sadd.s32 $0x330400, s18;
	s21 =	sadd.s32 $0xFFFFFFFF, s21;
	[sflag:s4] =	ssyncset.done $0x0  }
.LBB2_1:
0x35: {  	p0 =	sne.s32 s21, $0x1;
	s21 =	sadd.s32 $0xFFFFFFFF, s21;
	[sflag:s4] =	ssyncadd.s32 $0xFFFFC000  }
0x36: {  	_ =	swait.ge [sflag:s20], $0x4000  }
0x37: {  	[sflag:s20] =	ssyncset.done $0x0  }
0x38: {  	[sflag:s20] =	ssyncadd.s32 $0xFFFFC000  }
0x39: {  	[hbm4b:s18+s3] =	stream.linear.scatter [tilespmem:s12], [sflag:$0x4], $0x4000, $0x38;
	[tilespmem:$0xC180] =	vst v63  }
0x3a: {  	_ =	swait.ge [sflag:s4], $0x4000  }
0x3b: {  	[sflag:s4] =	ssyncset.done $0x0  }
0x3c: {  	[sflag:s4] =	ssyncadd.s32 $0xFFFFC000  }
0x3d: {  	[tilespmem:s3], [sflag:$0x4] =	stream.linear.gather [hbm4b:s5+s3], $0x80, $0x38;
	[tilespmem:$0xC180] =	vst v63  }
0x3e: {  	_ =	swait.ge [sflag:s4], $0x80  }
0x3f: {  	[sflag:s4] =	ssyncset.done $0x0  }
0x40: {  	[sflag:s4] =	ssyncadd.s32 $0xFFFFFF80  }
0x41: {  	[tilespmem:s7], [sflag:$0x4] =	stream.linear.gather [hbm4b:s6+s3], $0x80, $0x38;
	[tilespmem:$0xC180] =	vst v63  }
0x42: {  	_ =	swait.ge [sflag:s4], $0x80  }
0x43: {  	[sflag:s4] =	ssyncset.done $0x0  }
0x44: {  	[sflag:s4] =	ssyncadd.s32 $0xFFFFFF80  }
0x45: {  	[tilespmem:s9], [sflag:$0x4] =	stream.linear.gather [hbm4b:s8+s3], $0x80, $0x38;
	[tilespmem:$0xC180] =	vst v63  }
0x46: {  	_ =	swait.ge [sflag:s4], $0x80  }
0x47: {  	[sflag:s4] =	ssyncset.done $0x0  }
0x48: {  	[sflag:s4] =	ssyncadd.s32 $0xFFFFFF80  }
0x49: {  	v0 =	vld [tilespmem:$0x170]  }
0x4a: {  	v1 =	vld [tilespmem:$0x160]  }
0x4b: {  	v2 =	vld [tilespmem:$0x150]  }
0x4c: {  	v3 =	vld [tilespmem:$0x130]  }
0x4d: {  	v4 =	vld [tilespmem:$0x120]  }
0x4e: {  	v5 =	vld [tilespmem:$0x110];
	v0 =	vadd.s32 $0x80, v0  }
0x4f: {  	v6 =	vld [tilespmem:$0x140];
	v1 =	vadd.s32 $0x80, v1;
	[tilespmem:$0x170] =	vst v0  }
0x50: {  	v0 =	vld [tilespmem:$0x100];
	v2 =	vadd.s32 $0x80, v2;
	[tilespmem:$0x160] =	vst v1  }
0x51: {  	v1 =	vadd.s32 $0x80, v3;
	[tilespmem:$0x150] =	vst v2  }
0x52: {  	v2 =	vadd.s32 $0x80, v4;
	[tilespmem:$0x130] =	vst v1  }
0x53: {  	v1 =	vadd.s32 $0x80, v5;
	[tilespmem:$0x120] =	vst v2  }
0x54: {  	[tilespmem:$0x110] =	vst v1;
	v1 =	vadd.s32 $0x80, v6  }
0x55: {  	v0 =	vadd.s32 $0x80, v0;
	[tilespmem:$0x140] =	vst v1  }
0x56: {  	[tilespmem:$0x100] =	vst v0  }
0x57: {  	[tilespmem:s11], [sflag:$0x1] =	stream.indirect.gather [hbm4b:s10+s7], $0x80, s3, s7, $0xb8;
	[tilespmem:$0xC180] =	vst v63  }
0x58: {  	_ = 	snop  }
0x59: {  	[tilespmem:s14], [sflag:$0x2] =	stream.indirect.gather [hbm4b:s13+s7], $0x80, s7, s7, $0xb8;
	[tilespmem:$0xC180] =	vst v63  }
0x5a: {  	_ = 	snop  }
0x5b: {  	[tilespmem:s12], [sflag:$0x3] =	stream.indirect.gather [hbm4b:s2+s7], $0x80, s9, s7, $0xb8;
	[tilespmem:$0xC180] =	vst v63  }
0x5c: {  	_ =	swait.ge [sflag:s15], $0x4000  }
0x5d: {  	[sflag:s15] =	ssyncset.done $0x0  }
0x5e: {  	[sflag:s15] =	ssyncadd.s32 $0xFFFFC000  }
0x5f: {  	[hbm4b:s16+s3] =	stream.linear.scatter [tilespmem:s11], [sflag:$0x4], $0x4000, $0x38;
	[tilespmem:$0xC180] =	vst v63  }
0x60: {  	_ =	swait.ge [sflag:s4], $0x4000  }
0x61: {  	[sflag:s4] =	ssyncset.done $0x0  }
0x62: {  	[sflag:s4] =	ssyncadd.s32 $0xFFFFC000  }
0x63: {  	_ =	swait.ge [sflag:s17], $0x4000  }
.Ltmp1:
0x64: {  	[sflag:s17] =	ssyncset.done $0x0;
	(pc) =	sbr.rel @p0 .LBB2_1-.Ltmp1, $4  }
0x65: {  	[sflag:s17] =	ssyncadd.s32 $0xFFFFC000  }
0x66: {  	[hbm4b:s19+s3] =	stream.linear.scatter [tilespmem:s14], [sflag:$0x4], $0x4000, $0x38;
	[tilespmem:$0xC180] =	vst v63  }
0x67: {  	_ =	swait.ge [sflag:s4], $0x4000  }
0x68: {  	[sflag:s4] =	ssyncset.done $0x0  }
.LBB2_2:
0x69: {  	[sflag:s4] =	ssyncadd.s32 $0xFFFFC000  }
0x6a: {  	_ =	swait.ge [sflag:s20], $0x4000  }
0x6b: {  	[sflag:s20] =	ssyncset.done $0x0  }
0x6c: {  	[sflag:s20] =	ssyncadd.s32 $0xFFFFC000  }
0x6d: {  	[hbm4b:s18+s3] =	stream.linear.scatter [tilespmem:s12], [sflag:$0x4], $0x4000, $0x38;
	[tilespmem:$0xC180] =	vst v63  }
0x6e: {  	_ =	swait.ge [sflag:s4], $0x4000  }
0x6f: {  	[sflag:s4] =	ssyncset.done $0x0  }
0x70: {  	[sflag:s4] =	ssyncadd.s32 $0xFFFFC000  }
0x71: {  	_ =	sfence.sel $0x180000  }
0x72: {  	[bflag:$0x0] =	sbarrier.arrive $0xFFFF  }
0x73: {  	p0 =	sne.s32 s0, $0x0;
	_ =	strace $0x90000047  }
0x74: {  	s0 =	sadd.s32 @!p0 $0x100000, s1;
	[bflag:$0x2] =	sbarrier.arrive $0xFFFF  }
0x75: {  	[sflag:s0] =	ssyncadd.tile.s32 @!p0 $0x1;
	_ =	shalt  }
.Lfunc_end2:
_tile_overlayer_lowered:
.L_overlay_start_2:
0x76: {  	(tag) =	ssettag $0x2  }
0x77: {  	s0 =	rddreg [dreg:$0x0];
	s2 =	stileid.u32  }
0x78: {  	s1 =	rddreg [dreg:$0x1];
	p0 =	sne.s32 s2, $0x0  }
0x79: {  	s3 =	rddreg [dreg:$0x2];
	[bflag:$0x3] =	sbarrier.arrive $0xFFFF;
	s2 =	simm.s32 @!p0 $0x1C04  }
0x7a: {  	[timem:s3], [sflag:s2] =	dma.local @!p0 [hbm:s0], s1  }
0x7b: {  	s0 =	simm.s32 @!p0 $0x4  }
0x7c: {  	_ =	swait.ge @!p0 [sflag:s0], s1  }
0x7d: {  	s1 =	ssub.s32 @!p0 $0x0, s1;
	[sflag:s0] =	ssyncset.done @!p0 $0x0  }
0x7e: {  	[sflag:s0] =	ssyncadd.s32 @!p0 s1  }
0x7f: {  	[bflag:$0x3] =	sbarrier.arrive $0xFFFF  }
0x80: {  	_ =	shalt  }

</sc_bundles>
